<compile_context>
chip_gen: v7x
topology: tpu7x:2x2x1
jax: 0.10.2.dev20260603
libtpu: 0.0.44.dev20260713+nightly
codegen_flags: <defaults>
</compile_context>

<pallas_src>
import jax
import jax.numpy as jnp
from jax.experimental import pallas as pl


_S_BLK = 512


def _pe_add_kernel(x_ref, w_ref, o_ref):
    w = w_ref[...]
    d = w.shape[1]
    for b in range(x_ref.shape[1] // d):
        sl = pl.ds(b * d, d)
        o_ref[:, sl] = x_ref[:, sl] + w


def kernel(x, pos_embed_weight):
    seq_len, batch, d_model = x.shape
    x2 = x.reshape(seq_len, batch * d_model)
    grid = (seq_len // _S_BLK,)
    out2 = pl.pallas_call(
        _pe_add_kernel,
        grid=grid,
        in_specs=[
            pl.BlockSpec((_S_BLK, batch * d_model), lambda i: (i, 0)),
            pl.BlockSpec((_S_BLK, d_model), lambda i: (i, 0)),
        ],
        out_specs=pl.BlockSpec((_S_BLK, batch * d_model), lambda i: (i, 0)),
        out_shape=jax.ShapeDtypeStruct((seq_len, batch * d_model), x.dtype),
    )(x2, pos_embed_weight)
    return out2.reshape(seq_len, batch, d_model)

# --- scband reference (transcript-rebuilt; emitter-appended) ---
"""Pipeline reference for scband-positional-encoding-lut-10436770529528 (READ-ONLY COPY).

The authoritative reference and input builder live on the scoring server;
editing this copy changes nothing except your own understanding.
"""

import jax, jax.numpy as jnp
import numpy as np

D_MODEL = 1024
MAX_LEN = 2048
SEQ_LEN = 2048
BATCH = 4


def setup_inputs(seed: int = 0) -> dict:
    key = jax.random.key(seed)
    k_x, k_w = jax.random.split(key)
    x = jax.random.normal(k_x, (SEQ_LEN, BATCH, D_MODEL), dtype=jnp.float32)
    # kaiming_normal_(mode='fan_in') on weight [max_len, d_model]: fan_in = d_model, gain = sqrt(2)
    std = float(np.sqrt(2.0 / D_MODEL))
    pos_embed_weight = jax.random.normal(k_w, (MAX_LEN, D_MODEL), dtype=jnp.float32) * std
    return {"x": x, "pos_embed_weight": pos_embed_weight}


def reference(x, pos_embed_weight):
    # pos = position[:x.size(0)] -> [S, 1] int indices 0..S-1
    seq_len = x.shape[0]
    pos = jnp.arange(seq_len, dtype=jnp.int32)
    # embedding lookup (gather rows), broadcast over batch dim
    pe = jnp.take(pos_embed_weight, pos, axis=0)  # [S, d_model]
    out = x + pe[:, None, :]
    # dropout in eval mode: identity (deterministic reference)
    return out

if __name__ == "__main__":
    import jax
    _d = setup_inputs()
    print(jax.jit(kernel)(*tuple(_d.values())))

</pallas_src>

<mosaic_0001>
module attributes {stable_mosaic.version = 14 : i64} {
  func.func @_pe_add_kernel(%arg0: i32, %arg1: memref<512x4096xf32, #tpu.memory_space<vmem>>, %arg2: memref<512x1024xf32, #tpu.memory_space<vmem>>, %arg3: memref<512x4096xf32, #tpu.memory_space<vmem>>) attributes {dimension_semantics = [#tpu.dimension_semantics<arbitrary>], iteration_bounds = array<i64: 4>, scalar_prefetch = 0 : i64, scratch_operands = 0 : i64, tpu.core_type = #tpu.core_type<tc>, window_params = [{transform_indices = @transform_0, window_bounds = array<i64: 512, 4096>}, {transform_indices = @transform_1, window_bounds = array<i64: 512, 1024>}, {transform_indices = @transform_2, window_bounds = array<i64: 512, 4096>}]} {
    %get3A = arith.constant 0 : index
    %get3A_0 = arith.constant 0 : index
    %get3A_1 = vector.load %arg2[%get3A, %get3A_0] : memref<512x1024xf32, #tpu.memory_space<vmem>>, vector<512x1024xf32>
    %get3A_2 = arith.constant 0 : index
    %get3A_3 = arith.constant 0 : index
    %get3A_4 = vector.load %arg1[%get3A_2, %get3A_3] : memref<512x4096xf32, #tpu.memory_space<vmem>>, vector<512x1024xf32>
    %add3A = arith.addf %get3A_4, %get3A_1 : vector<512x1024xf32>
    %swap3A = arith.constant 0 : index
    %swap3A_5 = arith.constant 0 : index
    %swap3A_6 = vector.load %arg3[%swap3A, %swap3A_5] : memref<512x4096xf32, #tpu.memory_space<vmem>>, vector<512x1024xf32>
    tpu.vector_store %arg3[%swap3A, %swap3A_5], %add3A {strides = array<i32>} : memref<512x4096xf32, #tpu.memory_space<vmem>>, vector<512x1024xf32>,
    %get3A_7 = arith.constant 0 : index
    %get3A_8 = arith.constant 1024 : index
    %get3A_9 = vector.load %arg1[%get3A_7, %get3A_8] : memref<512x4096xf32, #tpu.memory_space<vmem>>, vector<512x1024xf32>
    %add3A_10 = arith.addf %get3A_9, %get3A_1 : vector<512x1024xf32>
    %swap3A_11 = arith.constant 0 : index
    %swap3A_12 = arith.constant 1024 : index
    %swap3A_13 = vector.load %arg3[%swap3A_11, %swap3A_12] : memref<512x4096xf32, #tpu.memory_space<vmem>>, vector<512x1024xf32>
    tpu.vector_store %arg3[%swap3A_11, %swap3A_12], %add3A_10 {strides = array<i32>} : memref<512x4096xf32, #tpu.memory_space<vmem>>, vector<512x1024xf32>,
    %get3A_14 = arith.constant 0 : index
    %get3A_15 = arith.constant 2048 : index
    %get3A_16 = vector.load %arg1[%get3A_14, %get3A_15] : memref<512x4096xf32, #tpu.memory_space<vmem>>, vector<512x1024xf32>
    %add3A_17 = arith.addf %get3A_16, %get3A_1 : vector<512x1024xf32>
    %swap3A_18 = arith.constant 0 : index
    %swap3A_19 = arith.constant 2048 : index
    %swap3A_20 = vector.load %arg3[%swap3A_18, %swap3A_19] : memref<512x4096xf32, #tpu.memory_space<vmem>>, vector<512x1024xf32>
    tpu.vector_store %arg3[%swap3A_18, %swap3A_19], %add3A_17 {strides = array<i32>} : memref<512x4096xf32, #tpu.memory_space<vmem>>, vector<512x1024xf32>,
    %get3A_21 = arith.constant 0 : index
    %get3A_22 = arith.constant 3072 : index
    %get3A_23 = vector.load %arg1[%get3A_21, %get3A_22] : memref<512x4096xf32, #tpu.memory_space<vmem>>, vector<512x1024xf32>
    %add3A_24 = arith.addf %get3A_23, %get3A_1 : vector<512x1024xf32>
    %swap3A_25 = arith.constant 0 : index
    %swap3A_26 = arith.constant 3072 : index
    %swap3A_27 = vector.load %arg3[%swap3A_25, %swap3A_26] : memref<512x4096xf32, #tpu.memory_space<vmem>>, vector<512x1024xf32>
    tpu.vector_store %arg3[%swap3A_25, %swap3A_26], %add3A_24 {strides = array<i32>} : memref<512x4096xf32, #tpu.memory_space<vmem>>, vector<512x1024xf32>,
    return
  }
  func.func @transform_0(%arg0: i32) -> (i32, i32) {
    %c0_i32 = arith.constant 0 : i32
    %c0_i32_0 = arith.constant 0 : i32
    return %arg0, %c0_i32 : i32, i32
  }
  func.func @transform_1(%arg0: i32) -> (i32, i32) {
    %c0_i32 = arith.constant 0 : i32
    %c0_i32_0 = arith.constant 0 : i32
    return %arg0, %c0_i32 : i32, i32
  }
  func.func @transform_2(%arg0: i32) -> (i32, i32) {
    %c0_i32 = arith.constant 0 : i32
    %c0_i32_0 = arith.constant 0 : i32
    return %arg0, %c0_i32 : i32, i32
  }
}

</mosaic_0001>

<sc_bundles>
// kernel: sparse-core-data-format-call.cloned.1.call-start
scs
called_computation_lowered:
.L_overlay_start_0:
0x0: {  	s2 =	sld [smem:$0x3FD9]  }
0x1: {  	s3 =	sld [smem:$0x3FFE];
	_ =	sdelay $0x1  }
0x2: {  	s1 =	srdreg.scid  }
0x3: {  	s0 =	sand.u32 $0x1, s1  }
0x4: {  	s19 =	sshll.u32 s0, $0xA;
	s2 =	sadd.s32 s3, s2  }
0x5: {  	s2 =	sadd.s32 s2, s19  }
0x6: {  	[smem:$0x3FC6] =	sst s2  }
0x7: {  	_ = 	snop  }
0x8: {  	s2 =	sld [smem:$0x3FC9]  }
0x9: {  	s20 =	sld [smem:$0x3FD0];
	(tm) =	ssettm $0x1  }
0xa: {  	s4 =	sld [smem:$0x3FFB];
	_ =	sdelay $0x3  }
0xb: {  	_ =	strace s4  }
0xc: {  	s4 =	sld [smem:$0x3FFC];
	_ =	sdelay $0x3  }
0xd: {  	_ =	strace s4  }
0xe: {  	s4 =	sld [smem:$0x3FFD];
	_ =	sdelay $0x3  }
0xf: {  	_ =	strace s4  }
0x10: {  	_ =	strace $0x8FFFFFFF  }
0x11: {  	s21 =	sld [smem:$0x3FDB];
	_ =	sdelay $0x1  }
0x12: {  	s5 =	simm.s32 $_scs_section_size  }
0x13: {  	s6 =	simm.s32 $_size__tile_overlayer_lowered;
	s7 =	simm.s32 $_tile_overlayer_lowered  }
0x14: {  	s24 =	simm.s32 $0x1BFF;
	s23 =	sshll.u32 s7, $0x1;
	s4 =	sadd.s32 s5, s21  }
0x15: {  	s8 =	simm.s32 $0x0;
	s22 =	sshll.u32 s6, $0x1;
	s6 =	sadd.s32 s23, s4  }
0x16: {  	[timem:s8], [sflag:s24] =	dma.local [hbm:s6], s22  }
0x17: {  	_ =	swait.ge [sflag:s24], s22  }
0x18: {  	s5 =	ssub.s32 $0x0, s22;
	[sflag:s24] =	ssyncset.done $0x0  }
0x19: {  	[sflag:s24] =	ssyncadd.s32 s5;
	_ =	sdelay $0x1  }
0x1a: {  	s25 =	simm.s32 $0x1B8B  }
0x1b: {  	_ =	swait.ge [sflag:s25], $0x1  }
0x1c: {  	[sflag:s25] =	ssyncset.done $0x0  }
0x1d: {  	s26 =	simm.s32 $0x1B8E;
	[sflag:s25] =	ssyncadd.s32 $0xFFFFFFFF  }
0x1e: {  	s27 =	simm.s32 $execute0_lowered;
	[smem:$0x3FD2] =	sst s26  }
0x1f: {  	s5 =	sshll.u32 s27, $0x1;
	_ =	strace $0x80000046;
	[dreg:$0x1] =	wrdreg $0xFFFFFFFF  }
0x20: {  	s28 =	simm.s32 $_size_execute0_lowered;
	s4 =	sadd.s32 s4, s5;
	[dreg:$0x0] =	wrdreg $0x0  }
0x21: {  	s5 =	sshll.u32 s28, $0x1;
	[dreg:$0x2] =	wrdreg s4  }
0x22: {  	[dreg:$0x3] =	wrdreg s5  }
0x23: {  	[dreg:$0x4] =	wrdreg $0xC0  }
0x24: {  	_ =	task [dreg:s8], $0x5FFFF  }
0x25: {  	[dreg:$0x1] =	wrdreg $0xFFFFFFFF  }
0x26: {  	[dreg:$0x0] =	wrdreg $0x60  }
0x27: {  	[dreg:$0x2] =	wrdreg s2  }
0x28: {  	[dreg:$0x3] =	wrdreg s20  }
0x29: {  	[dreg:$0x4] =	wrdreg $0x9  }
0x2a: {  	_ =	task.clear_ibuf [dreg:s8], $0x5FFFF;
	_ =	strace $0x90000046  }
0x2b: {  	s29 =	simm.s32 $0x9;
	_ =	strace $0x80000048  }
0x2c: {  	_ =	swait.ge [sflag:s29], $0x1  }
0x2d: {  	[sflag:s29] =	ssyncadd.s32 $0xFFFFFFFF  }
0x2e: {  	_ =	strace $0x90000048  }
0x2f: {  	_ =	sfence  }
0x30: {  	s30 =	sld [smem:$0x0];
	_ =	sdelay $0x2  }
0x31: {  	s31 =	sshll.u32 s1, $0xD;
	s1 =	sshrl.u32 s1, $0x2  }
0x32: {  	s3 =	sand.u32 $0x4000, s31;
	s1 =	sadd.s32 s1, s30  }
0x33: {  	s0 =	sor.u32 s3, s0;
	s1 =	sshll.u32 s1, $0x11  }
0x34: {  	s0 =	sor.u32 s1, s0  }
0x35: {  	s0 =	sadd.s32 $0x8F2B, s0  }
0x36: {  	[sflag:s0] =	ssyncadd.remote.s32 $0x1  }
0x37: {  	_ =	sfence.sel $0xFFFF  }
0x38: {  	[dreg:$0x0] =	wrdreg $0xFFFFFFFF;
	(pc) =	sbr.abs _section_cstart, $3  }
0x39: {  	[dreg:$0x1] =	wrdreg $0xFFFFFFFF  }
0x3a: {  	_ =	task.clear_ibuf [dreg:s8], $0x2FFFF;
	_ =	strace $0x9FFFFFFF  }
0x3b: {  	(tm) =	ssettm $0x7FFFFFFF  }
tec
execute0_lowered:
.L_overlay_start_1:
0x0: {  	(tag) =	ssettag $0x1  }
0x1: {  	s2 =	rddreg [dreg:$0x0]  }
0x2: {  	s3 =	rddreg [dreg:$0x1]  }
0x3: {  	s0 =	rddreg [dreg:$0x2];
	_ =	strace $0x80000047  }
0x4: {  	s4 =	srdreg.scid;
	s1 =	stileid.u32;
	s6 =	simm.s32 $0x2  }
0x5: {  	s12 =	simm.s32 $0x0;
	p0 =	por $0x0, $0x0;
	s13 =	simm.s32 $0x0  }
.Ltmp0:
0x6: {  	s15 =	simm.s32 $0x0;
	s14 =	simm.s32 $0x0;
	(pc) =	sbr.rel .LBB1_1-.Ltmp0, $4  }
0x7: {  	s8 =	simm.s32 $0x0;
	s9 =	simm.s32 $0x0;
	s5 =	sshll.u32 s4, $0x4  }
0x8: {  	s10 =	simm.s32 $0x0;
	s4 =	simm.s32 $0x1;
	s5 =	sand.u32 $0x10, s5  }
0x9: {  	s7 =	simm.s32 $0x0;
	[sflag:s4] =	ssyncpa.u1 $0x0;
	s5 =	sor.u32 s1, s5  }
0xa: {  	[sflag:s6] =	ssyncpa.u1 $0x0;
	s6 =	simm.s32 $0x2000;
	s11 =	smov.u32 s5  }
.LBB1_7:
0xb: {  	s16 =	sadd.s32 $0x200, s8  }
0xc: {  	s12 =	sadd.s32 $0x4, s9;
	s17 =	smov.u32 s9;
	p2 =	sgt.s32 s16, $0x3FF  }
0xd: {  	s17 =	smov.u32 @p2 s12  }
0xe: {  	s18 =	smov.u32 s10;
	s12 =	sadd.s32 $0x8, s10;
	p3 =	sgt.s32 s17, $0x3  }
0xf: {  	s18 =	smov.u32 @p3 s12  }
0x10: {  	s19 =	smov.u32 s11;
	s12 =	sadd.s32 $0x20, s11;
	p4 =	sgt.s32 s18, $0x7  }
0x11: {  	p1 =	slt.u32 s7, $0x2;
	s19 =	smov.u32 @p4 s12  }
0x12: {  	s7 =	sadd.s32 $0x1, s7;
	s16 =	simm.s32 @p2 $0x0;
	p2 =	sgt.s32 s19, $0xFF  }
0x13: {  	s20 =	simm.s32 @!p1 $0x2;
	s19 =	smov.u32 @p2 s5;
	p2 =	sne.s32 s7, $0x12  }
.Ltmp1:
0x14: {  	s13 =	smov.u32 s9;
	_ =	swait.ge @!p1 [sflag:s20], $0x4000;
	(pc) =	sbr.rel @!p2 .LBB1_8-.Ltmp1, $4  }
0x15: {  	s15 =	smov.u32 s10;
	s14 =	smov.u32 s11;
	[sflag:s20] =	ssyncset.done @!p1 $0x0  }
0x16: {  	p0 =	por !p0, !p0;
	s17 =	simm.s32 @p3 $0x0;
	[sflag:s20] =	ssyncadd.s32 @!p1 $0xFFFFC000  }
0x17: {  	s9 =	smov.u32 s17;
	s18 =	simm.s32 @p4 $0x0;
	s12 =	smov.u32 s8  }
0x18: {  	s8 =	smov.u32 s16;
	s10 =	smov.u32 s18;
	s11 =	smov.u32 s19  }
.LBB1_1:
0x19: {  	p1 =	sgt.u32 s7, $0xF  }
0x1a: {  	s16 =	sxor.u32 @!p1 $0xFFFFFFFF, s7;
	s17 =	sshll.u32 @!p1 s9, $0x7  }
0x1b: {  	s18 =	sand.u32 @!p1 $0x78, s8;
	s19 =	sshll.u32 @!p1 s8, $0x2;
	s20 =	sshrl.u32 @!p1 s8, $0x1  }
0x1c: {  	s17 =	sand.u32 @!p1 $0x180, s17;
	s16 =	sshll.u32 @!p1 s16, $0xE;
	s19 =	sand.u32 @!p1 $0x200, s19  }
0x1d: {  	s20 =	sand.u32 @!p1 $0x180, s20;
	s17 =	sor.u32 @!p1 s17, s18;
	s18 =	sshll.u32 @!p1 s11, $0xC  }
0x1e: {  	s17 =	sor.u32 @!p1 s19, s17;
	s19 =	sshll.u32 @!p1 s10, $0x9;
	s18 =	sadd.s32 @!p1 s2, s18  }
0x1f: {  	s16 =	sand.u32 @!p1 $0x4000, s16;
	s18 =	sadd.s32 @!p1 s19, s18;
	s19 =	sand.u32 @!p1 $0x7, s8  }
0x20: {  	s17 =	sshrl.u32 @!p1 s17, $0x3;
	s18 =	sadd.s32 @!p1 s20, s18;
	s19 =	sshll.u32 @!p1 s19, $0x12  }
0x21: {  	s17 =	sadd.s32 @!p1 s17, s18;
	s18 =	sor.u32 @!p1 $0x800, s19;
	s19 =	simm.s32 @!p1 $0x1000  }
0x22: {  	[tilespmem:s16], [sflag:$0x1] =	stream.strided.gather @!p1 [hbm4b:s17+s18], $0x4000, s19, s18, $0x38;
	[tilespmem:$0x10000] =	vst v63  }
0x23: {  	p1 =	seq.s32 s7, $0x0  }
0x24: {  	p2 =	seq.s32 @!p1 s7, $0x11  }
0x25: {  	p1 =	por p1, p2  }
.Ltmp2:
0x26: {  	_ = 	snop;
	(pc) =	sbr.rel @p1 .LBB1_7-.Ltmp2, $1  }
0x27: {  	_ =	sdelay $0x3  }
0x28: {  	s16 =	simm.s32 $0x1  }
0x29: {  	_ =	swait.ge [sflag:s4], $0x4000;
	s31 =	sshll.u32 s7, $0xE;
	s16 =	simm.s32 @!p0 $0x0  }
0x2a: {  	s20 =	simm.s32 $0x0;
	s21 =	simm.s32 $0x0;
	s16 =	sshll.u32 s16, $0x10  }
0x2b: {  	s22 =	simm.s32 $0x0;
	[sflag:s4] =	ssyncset.done $0x0;
	s19 =	sshrl.u32 s16, $0x2  }
0x2c: {  	[sflag:s4] =	ssyncadd.s32 $0xFFFFC000;
	s16 =	sand.u32 $0x4000, s31;
	s17 =	sor.u32 $0x400, s19  }
0x2d: {  	s18 =	sor.u32 $0x8000, s19;
	s16 =	sor.u32 $0x8000, s16;
	s19 =	sadd.s32 $0x8C00, s19  }
.LBB1_3:
0x2e: {  	v0 =	vmov s18;
	v1 =	vld [tilespmem:s17+$0x270]  }
0x2f: {  	v2 =	vld [tilespmem:s17+$0xFFFFFC10]  }
0x30: {  	v3 =	vld [tilespmem:s17+$0xFFFFFC20]  }
0x31: {  	s23 =	sshll.u32 s21, $0x2;
	s24 =	sand.u32 $0x3, s20;
	v4 =	vld [tilespmem:s17+$0xFFFFFC30]  }
0x32: {  	v5 =	vld [tilespmem:s17+$0xFFFFFC40];
	s25 =	sand.u32 $0xFFFFF800, s23;
	s24 =	sshll.u32 s24, $0x9;
	s23 =	simm.s32 $0x0  }
0x33: {  	v6 =	vld [tilespmem:s17+$0xFFFFFC50];
	s24 =	sor.u32 s24, s25;
	[tilespmem:v0+s23+$0xC70 ss:$0x1] =	vst.idx.msk $0xffff, v1  }
0x34: {  	v7 =	vld [tilespmem:s17+$0x220];
	s24 =	sshrl.u32 s24, $0x2;
	[tilespmem:v0+s23+$0x10 ss:$0x1] =	vst.idx.msk $0xffff, v2  }
0x35: {  	v8 =	vld [tilespmem:s17+$0x230];
	s24 =	sadd.s32 s24, s19;
	[tilespmem:v0+s23+$0x20 ss:$0x1] =	vst.idx.msk $0xffff, v3  }
0x36: {  	v1 =	vmov s24;
	[tilespmem:v0+s23+$0x30 ss:$0x1] =	vst.idx.msk $0xffff, v4;
	v4 =	vld [tilespmem:s17+$0xFFFFFE00]  }
0x37: {  	[tilespmem:v0+s23+$0x40 ss:$0x1] =	vst.idx.msk $0xffff, v5;
	v5 =	vld [tilespmem:s17+$0xFFFFFE10]  }
0x38: {  	[tilespmem:v0+s23+$0x50 ss:$0x1] =	vst.idx.msk $0xffff, v6;
	v6 =	vld [tilespmem:s17+$0xFFFFFE20]  }
0x39: {  	v2 =	vld [tilespmem:s17+$0xFFFFFC60];
	[tilespmem:v0+s23+$0xC20 ss:$0x1] =	vst.idx.msk $0xffff, v7  }
0x3a: {  	v3 =	vld [tilespmem:s17+$0xFFFFFC70];
	[tilespmem:v0+s23+$0xC30 ss:$0x1] =	vst.idx.msk $0xffff, v8  }
0x3b: {  	[tilespmem:v1+s23+$0xFFFFF800 ss:$0x1] =	vst.idx.msk $0xffff, v4;
	v4 =	vld [tilespmem:s17+$0xFFFFFE50]  }
0x3c: {  	[tilespmem:v0+s23+$0x410 ss:$0x1] =	vst.idx.msk $0xffff, v5;
	v5 =	vld [tilespmem:s17+$0xFFFFFE60]  }
0x3d: {  	[tilespmem:v0+s23+$0x420 ss:$0x1] =	vst.idx.msk $0xffff, v6;
	v6 =	vld [tilespmem:s17+$0xFFFFFE70]  }
0x3e: {  	[tilespmem:v0+s23+$0x60 ss:$0x1] =	vst.idx.msk $0xffff, v2;
	v2 =	vld [tilespmem:s17+$0xFFFFFE30]  }
0x3f: {  	[tilespmem:v0+s23+$0x70 ss:$0x1] =	vst.idx.msk $0xffff, v3;
	v3 =	vld [tilespmem:s17+$0xFFFFFE40]  }
0x40: {  	[tilespmem:v0+s23+$0x450 ss:$0x1] =	vst.idx.msk $0xffff, v4;
	v4 =	vld [tilespmem:s17+$0x20]  }
0x41: {  	[tilespmem:v0+s23+$0x460 ss:$0x1] =	vst.idx.msk $0xffff, v5;
	v5 =	vld [tilespmem:s17+$0x30]  }
0x42: {  	[tilespmem:v0+s23+$0x470 ss:$0x1] =	vst.idx.msk $0xffff, v6;
	v6 =	vld [tilespmem:s17+$0x40]  }
0x43: {  	[tilespmem:v0+s23+$0x430 ss:$0x1] =	vst.idx.msk $0xffff, v2;
	v2 =	vld [tilespmem:s17+$0x0]  }
0x44: {  	[tilespmem:v0+s23+$0x440 ss:$0x1] =	vst.idx.msk $0xffff, v3;
	v3 =	vld [tilespmem:s17+$0x10]  }
0x45: {  	[tilespmem:v0+s23+$0x820 ss:$0x1] =	vst.idx.msk $0xffff, v4;
	v4 =	vld [tilespmem:s17+$0x70]  }
0x46: {  	[tilespmem:v0+s23+$0x830 ss:$0x1] =	vst.idx.msk $0xffff, v5;
	v5 =	vld [tilespmem:s17+$0x200]  }
0x47: {  	[tilespmem:v0+s23+$0x840 ss:$0x1] =	vst.idx.msk $0xffff, v6;
	v6 =	vld [tilespmem:s17+$0x210]  }
0x48: {  	[tilespmem:v1+s23+$0xFFFFFC00 ss:$0x1] =	vst.idx.msk $0xffff, v2;
	v2 =	vld [tilespmem:s17+$0x50]  }
0x49: {  	[tilespmem:v0+s23+$0x810 ss:$0x1] =	vst.idx.msk $0xffff, v3;
	v3 =	vld [tilespmem:s17+$0x60]  }
0x4a: {  	[tilespmem:v0+s23+$0x870 ss:$0x1] =	vst.idx.msk $0xffff, v4;
	v4 =	vld [tilespmem:s17+$0x240]  }
0x4b: {  	[tilespmem:v1+s23+$0x0 ss:$0x1] =	vst.idx.msk $0xffff, v5;
	v5 =	vld [tilespmem:s17+$0x250]  }
0x4c: {  	[tilespmem:v0+s23+$0xC10 ss:$0x1] =	vst.idx.msk $0xffff, v6;
	v6 =	vld [tilespmem:s17+$0x260]  }
0x4d: {  	s24 =	sadd.s32 $0x80, s17;
	[tilespmem:v0+s23+$0x850 ss:$0x1] =	vst.idx.msk $0xffff, v2;
	v2 =	vld [tilespmem:s17+$0xFFFFFC00]  }
0x4e: {  	s26 =	simm.s32 $0x8000;
	s25 =	simm.s32 $0x4000;
	[tilespmem:v0+s23+$0x860 ss:$0x1] =	vst.idx.msk $0xffff, v3;
	v3 =	vld [tilespmem:s24+$0x270]  }
.LBB1_4:
0x4f: {  	p1 =	sne.s32 s26, $0xC000;
	v7 =	vld [tilespmem:s24+$0xFFFFFC10];
	[tilespmem:v0+s23+$0xC40 ss:$0x1] =	vst.idx.msk $0xffff, v4  }
0x50: {  	v4 =	vld [tilespmem:s24+$0xFFFFFC20];
	[tilespmem:v0+s23+$0xC50 ss:$0x1] =	vst.idx.msk $0xffff, v5  }
0x51: {  	v5 =	vld [tilespmem:s24+$0xFFFFFC30];
	[tilespmem:v0+s23+$0xC60 ss:$0x1] =	vst.idx.msk $0xffff, v6  }
0x52: {  	v6 =	vld [tilespmem:s24+$0xFFFFFC40];
	[tilespmem:v0+s23+$0x0 ss:$0x1] =	vst.idx.msk $0xffff, v2;
	s23 =	sshra.s32 s25, $0x2;
	s25 =	smov.u32 s26  }
0x53: {  	v2 =	vld [tilespmem:s24+$0xFFFFFC50];
	[tilespmem:v0+s23+$0xC70 ss:$0x1] =	vst.idx.msk $0xffff, v3  }
0x54: {  	[tilespmem:v0+s23+$0x10 ss:$0x1] =	vst.idx.msk $0xffff, v7;
	v3 =	vld [tilespmem:s24+$0xFFFFFC60]  }
0x55: {  	[tilespmem:v0+s23+$0x20 ss:$0x1] =	vst.idx.msk $0xffff, v4;
	v4 =	vld [tilespmem:s24+$0xFFFFFC70]  }
0x56: {  	[tilespmem:v0+s23+$0x30 ss:$0x1] =	vst.idx.msk $0xffff, v5;
	v5 =	vld [tilespmem:s24+$0xFFFFFE00]  }
0x57: {  	[tilespmem:v0+s23+$0x40 ss:$0x1] =	vst.idx.msk $0xffff, v6;
	v6 =	vld [tilespmem:s24+$0xFFFFFE10]  }
0x58: {  	[tilespmem:v0+s23+$0x50 ss:$0x1] =	vst.idx.msk $0xffff, v2;
	v2 =	vld [tilespmem:s24+$0xFFFFFE20]  }
0x59: {  	[tilespmem:v0+s23+$0x60 ss:$0x1] =	vst.idx.msk $0xffff, v3;
	v3 =	vld [tilespmem:s24+$0xFFFFFE30]  }
0x5a: {  	[tilespmem:v0+s23+$0x70 ss:$0x1] =	vst.idx.msk $0xffff, v4;
	v4 =	vld [tilespmem:s24+$0xFFFFFE40]  }
0x5b: {  	[tilespmem:v1+s23+$0xFFFFF800 ss:$0x1] =	vst.idx.msk $0xffff, v5;
	v5 =	vld [tilespmem:s24+$0xFFFFFE50]  }
0x5c: {  	[tilespmem:v0+s23+$0x410 ss:$0x1] =	vst.idx.msk $0xffff, v6;
	v6 =	vld [tilespmem:s24+$0xFFFFFE60]  }
0x5d: {  	[tilespmem:v0+s23+$0x420 ss:$0x1] =	vst.idx.msk $0xffff, v2;
	v2 =	vld [tilespmem:s24+$0xFFFFFE70]  }
0x5e: {  	[tilespmem:v0+s23+$0x430 ss:$0x1] =	vst.idx.msk $0xffff, v3;
	v3 =	vld [tilespmem:s24+$0x0]  }
0x5f: {  	[tilespmem:v0+s23+$0x440 ss:$0x1] =	vst.idx.msk $0xffff, v4;
	v4 =	vld [tilespmem:s24+$0x10]  }
0x60: {  	[tilespmem:v0+s23+$0x450 ss:$0x1] =	vst.idx.msk $0xffff, v5;
	v5 =	vld [tilespmem:s24+$0x20]  }
0x61: {  	[tilespmem:v0+s23+$0x460 ss:$0x1] =	vst.idx.msk $0xffff, v6;
	v6 =	vld [tilespmem:s24+$0x30]  }
0x62: {  	[tilespmem:v0+s23+$0x470 ss:$0x1] =	vst.idx.msk $0xffff, v2;
	v2 =	vld [tilespmem:s24+$0x40]  }
0x63: {  	[tilespmem:v1+s23+$0xFFFFFC00 ss:$0x1] =	vst.idx.msk $0xffff, v3;
	v3 =	vld [tilespmem:s24+$0x50]  }
0x64: {  	[tilespmem:v0+s23+$0x810 ss:$0x1] =	vst.idx.msk $0xffff, v4;
	v4 =	vld [tilespmem:s24+$0x60]  }
0x65: {  	[tilespmem:v0+s23+$0x820 ss:$0x1] =	vst.idx.msk $0xffff, v5;
	v5 =	vld [tilespmem:s24+$0x70]  }
0x66: {  	[tilespmem:v0+s23+$0x830 ss:$0x1] =	vst.idx.msk $0xffff, v6;
	v6 =	vld [tilespmem:s24+$0x200]  }
0x67: {  	[tilespmem:v0+s23+$0x840 ss:$0x1] =	vst.idx.msk $0xffff, v2;
	v2 =	vld [tilespmem:s24+$0x210]  }
0x68: {  	[tilespmem:v0+s23+$0x850 ss:$0x1] =	vst.idx.msk $0xffff, v3;
	v3 =	vld [tilespmem:s24+$0x220]  }
0x69: {  	[tilespmem:v0+s23+$0x860 ss:$0x1] =	vst.idx.msk $0xffff, v4;
	v7 =	vld [tilespmem:s24+$0x230]  }
.Ltmp3:
0x6a: {  	[tilespmem:v0+s23+$0x870 ss:$0x1] =	vst.idx.msk $0xffff, v5;
	v4 =	vld [tilespmem:s24+$0x240];
	(pc) =	sbr.rel @p1 .LBB1_4-.Ltmp3, $4  }
0x6b: {  	[tilespmem:v1+s23+$0x0 ss:$0x1] =	vst.idx.msk $0xffff, v6;
	v5 =	vld [tilespmem:s24+$0x250]  }
0x6c: {  	[tilespmem:v0+s23+$0xC10 ss:$0x1] =	vst.idx.msk $0xffff, v2;
	v6 =	vld [tilespmem:s24+$0x260]  }
0x6d: {  	v2 =	vld [tilespmem:s24+$0xFFFFFC00];
	[tilespmem:v0+s23+$0xC20 ss:$0x1] =	vst.idx.msk $0xffff, v3;
	s24 =	sadd.s32 $0x80, s24  }
0x6e: {  	s26 =	sadd.s32 $0x4000, s26;
	v3 =	vld [tilespmem:s24+$0x270];
	[tilespmem:v0+s23+$0xC30 ss:$0x1] =	vst.idx.msk $0xffff, v7  }
0x6f: {  	_ =	sdelay $0x3  }
0x70: {  	v7 =	vld [tilespmem:s24+$0xFFFFFC10];
	[tilespmem:v0+s23+$0xC40 ss:$0x1] =	vst.idx.msk $0xffff, v4  }
0x71: {  	v34 =	vld [tilespmem:s24+$0xFFFFFC20];
	[tilespmem:v0+s23+$0xC50 ss:$0x1] =	vst.idx.msk $0xffff, v5  }
0x72: {  	v35 =	vld [tilespmem:s24+$0xFFFFFC30];
	[tilespmem:v0+s23+$0xC60 ss:$0x1] =	vst.idx.msk $0xffff, v6  }
0x73: {  	s25 =	sshra.s32 s25, $0x2;
	v36 =	vld [tilespmem:s24+$0xFFFFFC40];
	[tilespmem:v0+s23+$0x0 ss:$0x1] =	vst.idx.msk $0xffff, v2  }
0x74: {  	v37 =	vld [tilespmem:s24+$0xFFFFFC50];
	[tilespmem:v0+s25+$0xC70 ss:$0x1] =	vst.idx.msk $0xffff, v3  }
0x75: {  	v38 =	vld [tilespmem:s24+$0xFFFFFC60];
	[tilespmem:v0+s25+$0x10 ss:$0x1] =	vst.idx.msk $0xffff, v7  }
0x76: {  	v39 =	vld [tilespmem:s24+$0xFFFFFC70];
	[tilespmem:v0+s25+$0x20 ss:$0x1] =	vst.idx.msk $0xffff, v34  }
0x77: {  	v40 =	vld [tilespmem:s24+$0xFFFFFE00];
	[tilespmem:v0+s25+$0x30 ss:$0x1] =	vst.idx.msk $0xffff, v35  }
0x78: {  	v41 =	vld [tilespmem:s24+$0xFFFFFE10];
	[tilespmem:v0+s25+$0x40 ss:$0x1] =	vst.idx.msk $0xffff, v36  }
0x79: {  	v42 =	vld [tilespmem:s24+$0xFFFFFE20];
	[tilespmem:v0+s25+$0x50 ss:$0x1] =	vst.idx.msk $0xffff, v37  }
0x7a: {  	v43 =	vld [tilespmem:s24+$0xFFFFFE30];
	[tilespmem:v0+s25+$0x60 ss:$0x1] =	vst.idx.msk $0xffff, v38  }
0x7b: {  	v44 =	vld [tilespmem:s24+$0xFFFFFE40];
	[tilespmem:v0+s25+$0x70 ss:$0x1] =	vst.idx.msk $0xffff, v39  }
0x7c: {  	v45 =	vld [tilespmem:s24+$0xFFFFFE50];
	[tilespmem:v1+s25+$0xFFFFF800 ss:$0x1] =	vst.idx.msk $0xffff, v40  }
0x7d: {  	v46 =	vld [tilespmem:s24+$0xFFFFFE60];
	[tilespmem:v0+s25+$0x410 ss:$0x1] =	vst.idx.msk $0xffff, v41  }
0x7e: {  	v47 =	vld [tilespmem:s24+$0xFFFFFE70];
	[tilespmem:v0+s25+$0x420 ss:$0x1] =	vst.idx.msk $0xffff, v42  }
0x7f: {  	v48 =	vld [tilespmem:s24+$0x0];
	[tilespmem:v0+s25+$0x430 ss:$0x1] =	vst.idx.msk $0xffff, v43  }
0x80: {  	v49 =	vld [tilespmem:s24+$0x10];
	[tilespmem:v0+s25+$0x440 ss:$0x1] =	vst.idx.msk $0xffff, v44  }
0x81: {  	v50 =	vld [tilespmem:s24+$0x20];
	[tilespmem:v0+s25+$0x450 ss:$0x1] =	vst.idx.msk $0xffff, v45  }
0x82: {  	v51 =	vld [tilespmem:s24+$0x30];
	[tilespmem:v0+s25+$0x460 ss:$0x1] =	vst.idx.msk $0xffff, v46  }
0x83: {  	v52 =	vld [tilespmem:s24+$0x40];
	[tilespmem:v0+s25+$0x470 ss:$0x1] =	vst.idx.msk $0xffff, v47  }
0x84: {  	v53 =	vld [tilespmem:s24+$0x50];
	[tilespmem:v1+s25+$0xFFFFFC00 ss:$0x1] =	vst.idx.msk $0xffff, v48  }
0x85: {  	v54 =	vld [tilespmem:s24+$0x60];
	[tilespmem:v0+s25+$0x810 ss:$0x1] =	vst.idx.msk $0xffff, v49  }
0x86: {  	v55 =	vld [tilespmem:s24+$0x70];
	[tilespmem:v0+s25+$0x820 ss:$0x1] =	vst.idx.msk $0xffff, v50  }
0x87: {  	v56 =	vld [tilespmem:s24+$0x200];
	[tilespmem:v0+s25+$0x830 ss:$0x1] =	vst.idx.msk $0xffff, v51  }
0x88: {  	v57 =	vld [tilespmem:s24+$0x210];
	[tilespmem:v0+s25+$0x840 ss:$0x1] =	vst.idx.msk $0xffff, v52  }
0x89: {  	v58 =	vld [tilespmem:s24+$0x220];
	[tilespmem:v0+s25+$0x850 ss:$0x1] =	vst.idx.msk $0xffff, v53  }
0x8a: {  	v59 =	vld [tilespmem:s24+$0x230];
	[tilespmem:v0+s25+$0x860 ss:$0x1] =	vst.idx.msk $0xffff, v54  }
0x8b: {  	v60 =	vld [tilespmem:s24+$0x240];
	[tilespmem:v0+s25+$0x870 ss:$0x1] =	vst.idx.msk $0xffff, v55  }
0x8c: {  	v61 =	vld [tilespmem:s24+$0x250];
	[tilespmem:v1+s25+$0x0 ss:$0x1] =	vst.idx.msk $0xffff, v56  }
0x8d: {  	v62 =	vld [tilespmem:s24+$0x260];
	s22 =	sadd.s32 $0x1, s22;
	[tilespmem:v0+s25+$0xC10 ss:$0x1] =	vst.idx.msk $0xffff, v57  }
0x8e: {  	v63 =	vld [tilespmem:s24+$0xFFFFFC00];
	p1 =	sne.s32 s22, $0x8;
	[tilespmem:v0+s25+$0xC20 ss:$0x1] =	vst.idx.msk $0xffff, v58  }
.Ltmp4:
0x8f: {  	[tilespmem:v0+s25+$0xC30 ss:$0x1] =	vst.idx.msk $0xffff, v59;
	(pc) =	sbr.rel @p1 .LBB1_3-.Ltmp4, $4  }
0x90: {  	[tilespmem:v0+s25+$0xC40 ss:$0x1] =	vst.idx.msk $0xffff, v60  }
0x91: {  	[tilespmem:v0+s25+$0xC50 ss:$0x1] =	vst.idx.msk $0xffff, v61  }
0x92: {  	s17 =	sadd.s32 $0x800, s17;
	[tilespmem:v0+s25+$0xC60 ss:$0x1] =	vst.idx.msk $0xffff, v62  }
0x93: {  	s21 =	sadd.s32 $0x80, s21;
	s20 =	sadd.s32 $0x1, s20;
	s18 =	sadd.s32 $0x80, s18;
	[tilespmem:v0+s25+$0x0 ss:$0x1] =	vst.idx.msk $0xffff, v63  }
0x94: {  	s15 =	sshll.u32 s15, $0x7;
	s17 =	sand.u32 $0x78, s12  }
0x95: {  	s14 =	sshll.u32 s14, $0xC;
	s13 =	sshll.u32 s13, $0xA;
	s29 =	sand.u32 $0x380, s12  }
.Ltmp5:
0x96: {  	s15 =	sand.u32 $0x380, s15;
	s14 =	sadd.s32 s3, s14;
	(pc) =	sbr.rel .LBB1_7-.Ltmp5, $4  }
0x97: {  	s30 =	sand.u32 $0x7, s12;
	s15 =	sor.u32 s15, s17;
	s13 =	sadd.s32 s13, s14  }
0x98: {  	s12 =	sshll.u32 s30, $0x12;
	s31 =	sshrl.u32 s15, $0x3;
	s13 =	sadd.s32 s29, s13  }
0x99: {  	s12 =	sor.u32 $0x1000, s12;
	s13 =	sadd.s32 s31, s13  }
0x9a: {  	[hbm4b:s13+s12] =	stream.strided.scatter [tilespmem:s16], [sflag:$0x2], $0x4000, s6, s12, $0x38;
	[tilespmem:$0x10000] =	vst v63  }
.LBB1_8:
0x9b: {  	_ =	sfence.sel $0x180000  }
0x9c: {  	s2 =	simm.s32 $0x1;
	[bflag:$0x0] =	sbarrier.arrive $0xFFFF  }
0x9d: {  	s31 =	simm.s32 $0x2;
	[sflag:s2] =	ssyncpa.u1 $0x1  }
0x9e: {  	[sflag:s31] =	ssyncpa.u1 $0x1  }
0x9f: {  	p0 =	sne.s32 s1, $0x0;
	_ =	strace $0x90000047  }
0xa0: {  	s0 =	sadd.s32 @!p0 $0x100000, s0;
	[bflag:$0x2] =	sbarrier.arrive $0xFFFF  }
0xa1: {  	[sflag:s0] =	ssyncadd.tile.s32 @!p0 $0x1;
	_ =	shalt  }
.Lfunc_end1:
_tile_overlayer_lowered:
.L_overlay_start_2:
0xa2: {  	(tag) =	ssettag $0x2  }
0xa3: {  	s0 =	rddreg [dreg:$0x0];
	s2 =	stileid.u32  }
0xa4: {  	s1 =	rddreg [dreg:$0x1];
	p0 =	sne.s32 s2, $0x0  }
0xa5: {  	s3 =	rddreg [dreg:$0x2];
	[bflag:$0x3] =	sbarrier.arrive $0xFFFF;
	s2 =	simm.s32 @!p0 $0x1C01  }
0xa6: {  	[timem:s3], [sflag:s2] =	dma.local @!p0 [hbm:s0], s1  }
0xa7: {  	s0 =	simm.s32 @!p0 $0x1  }
0xa8: {  	_ =	swait.ge @!p0 [sflag:s0], s1  }
0xa9: {  	s1 =	ssub.s32 @!p0 $0x0, s1;
	[sflag:s0] =	ssyncset.done @!p0 $0x0  }
0xaa: {  	[sflag:s0] =	ssyncadd.s32 @!p0 s1  }
0xab: {  	[bflag:$0x3] =	sbarrier.arrive $0xFFFF  }
0xac: {  	_ =	shalt  }

</sc_bundles>
